<compile_context>
chip_gen: v7x
topology: tpu7x:2x2x1
jax: 0.10.2.dev20260603
libtpu: 0.0.44.dev20260713+nightly
codegen_flags: <defaults>
</compile_context>

<pallas_src>
import jax
import jax.numpy as jnp
from jax.experimental import pallas as pl
from jax.experimental.pallas import tpu as pltpu
from jax.experimental.pallas import tpu_sc as plsc

_NUM_CHANNELS = 5
_GRID = 5


def _channel_mean(v):
    return (v * jnp.float32(_NUM_CHANNELS)) * jnp.float32(1.0 / _NUM_CHANNELS)


def _tc_body(e_ref, u_ref, eo_ref, uo_ref):
    ev = e_ref[...]
    cb = ev.shape[1]
    eo_ref[...] = ev.transpose(0, 3, 1, 2, 4).reshape(16, cb, 1, 128)
    uo_ref[...] = _channel_mean(u_ref[...])


def _edge_u_call(e4, u):
    de8, ncb, _, _, _ = e4.shape
    de = de8 * 8
    cb = ncb // _GRID
    d = u.shape[1]
    return pl.pallas_call(
        _tc_body,
        grid=(_GRID,),
        in_specs=[
            pl.BlockSpec((de8, cb, 1, 8, 128), lambda i: (0, i, 0, 0, 0)),
            pl.BlockSpec((1, d), lambda i: (0, 0)),
        ],
        out_specs=[
            pl.BlockSpec((de, cb, 1, 128), lambda i: (0, i, 0, 0)),
            pl.BlockSpec((1, d), lambda i: (0, 0)),
        ],
        out_shape=[
            jax.ShapeDtypeStruct((de, ncb, 1, 128), e4.dtype),
            jax.ShapeDtypeStruct((1, d), u.dtype),
        ],
        compiler_params=pltpu.CompilerParams(
            dimension_semantics=("arbitrary",),
        ),
    )(e4, u)


def _x_copy_sc(x):
    mesh = plsc.ScalarSubcoreMesh(axis_name="c")
    n, d = x.shape
    rows = n // mesh.num_cores

    @pl.kernel(
        out_type=jax.ShapeDtypeStruct(x.shape, x.dtype),
        mesh=mesh,
        scratch_types=[pltpu.SemaphoreType.DMA],
    )
    def sc_copy(x_hbm, o_hbm, sem):
        c = jax.lax.axis_index("c")
        r0 = c * rows
        pltpu.async_copy(
            x_hbm.at[pl.ds(r0, rows), :], o_hbm.at[pl.ds(r0, rows), :], sem
        ).wait()

    return sc_copy(x)


def kernel(x, edge_index, edge_attr, u, batch):
    n, d = x.shape
    e, de = edge_attr.shape

    et = edge_attr.T
    e4 = et.reshape(de // 8, 8, e // 128, 1, 128).transpose(0, 2, 3, 1, 4)

    e3, u_out = _edge_u_call(e4, u)
    x_out = _x_copy_sc(x)

    e_out = e3.reshape(de, e, 1).transpose(1, 0, 2)
    return (x_out[:, :, None], e_out, u_out[:, :, None])

# --- scband reference (transcript-rebuilt; emitter-appended) ---
"""Pipeline reference for scband-channeled-meta-layer-24773371363901 (READ-ONLY COPY).

The authoritative reference and input builder live on the scoring server;
editing this copy changes nothing except your own understanding.
"""

import jax, jax.numpy as jnp
import numpy as np

NUM_CHANNELS = 5


def meta_layer(x, edge_index, edge_attr, u, batch):
    # MetaLayer with edge_model=node_model=global_model=None is an identity
    # passthrough of (x, edge_attr, u) (torch_geometric MetaLayer semantics).
    return x, edge_attr, u


def setup_inputs(seed: int = 0) -> dict:
    key = jax.random.key(seed)
    ks = jax.random.split(key, 4)
    N, E, D, DE = 10000, 320000, 128, 16
    x = jax.random.normal(ks[0], (N, D), dtype=jnp.float32)
    edge_index = jax.random.randint(ks[1], (2, E), 0, N, dtype=jnp.int32)
    edge_attr = jax.random.normal(ks[2], (E, DE), dtype=jnp.float32)
    u = jax.random.normal(ks[3], (1, D), dtype=jnp.float32)
    batch = jnp.zeros((N,), dtype=jnp.int32)
    return {"x": x, "edge_index": edge_index, "edge_attr": edge_attr, "u": u, "batch": batch}


def reference(x, edge_index, edge_attr, u, batch):
    # Run each channel's MetaLayer, then stack along a new channel dim and mean
    # with keepdims, mirroring torch.stack(dim=2) + torch.mean(dim=2, keepdim=True).
    results = [meta_layer(x, edge_index, edge_attr, u, batch) for _ in range(NUM_CHANNELS)]
    x_mat = [r[0] for r in results]
    edge_w_mat = [r[1] for r in results]
    global_vec_mat = [r[2] for r in results]
    x_out = jnp.mean(jnp.stack(x_mat, axis=2), axis=2, keepdims=True)
    edge_w = jnp.mean(jnp.stack(edge_w_mat, axis=2), axis=2, keepdims=True)
    global_vec = jnp.mean(jnp.stack(global_vec_mat, axis=2), axis=2, keepdims=True)
    return (x_out, edge_w, global_vec)

if __name__ == "__main__":
    import jax
    _d = setup_inputs()
    print(jax.jit(kernel)(*tuple(_d.values())))

</pallas_src>

<mosaic_0001>
#map = affine_map<(d0) -> (0, 0)>
module attributes {stable_mosaic.version = 14 : i64} {
  func.func @sc_copy(%arg0: i32, %arg1: memref<10000x128xf32, #tpu.memory_space<hbm>>, %arg2: memref<10000x128xf32, #tpu.memory_space<hbm>>, %arg3: memref<!tpu.dma_semaphore, #tpu.memory_space<semaphore_mem>>) attributes {dimension_semantics = [#tpu.dimension_semantics<core_parallel>], iteration_bounds = array<i64: 2>, scalar_prefetch = 0 : i64, scratch_operands = 1 : i64, tpu.core_type = #tpu.core_type<sc_scalar_subcore>, window_params = [{transform_indices = #map}, {transform_indices = #map}]} {
    %mul3A = arith.constant 5000 : i32
    %mul3A_0 = arith.muli %arg0, %mul3A : i32
    %dma_start3A = arith.constant 0 : i32
    %dma_start3A_1 = tpu.memref_slice %arg2[%mul3A_0, %dma_start3A] : memref<10000x128xf32, #tpu.memory_space<hbm>> -> memref<5000x128xf32, #tpu.memory_space<hbm>>
    %dma_start3A_2 = arith.constant 0 : i32
    %dma_start3A_3 = tpu.memref_slice %arg1[%mul3A_0, %dma_start3A_2] : memref<10000x128xf32, #tpu.memory_space<hbm>> -> memref<5000x128xf32, #tpu.memory_space<hbm>>
    tpu.enqueue_dma source(%dma_start3A_3 : memref<5000x128xf32, #tpu.memory_space<hbm>>) target(%dma_start3A_1 : memref<5000x128xf32, #tpu.memory_space<hbm>>) target_semaphore(%arg3 : memref<!tpu.dma_semaphore, #tpu.memory_space<semaphore_mem>>)
    %dma_wait3A = arith.constant 0 : i32
    %dma_wait3A_4 = tpu.memref_slice %arg2[%mul3A_0, %dma_wait3A] : memref<10000x128xf32, #tpu.memory_space<hbm>> -> memref<5000x128xf32, #tpu.memory_space<hbm>>
    %dma_wait3A_5 = arith.constant 0 : i32
    %dma_wait3A_6 = tpu.memref_slice %arg1[%mul3A_0, %dma_wait3A_5] : memref<10000x128xf32, #tpu.memory_space<hbm>> -> memref<5000x128xf32, #tpu.memory_space<hbm>>
    tpu.wait_dma2 semaphore(%arg3 : memref<!tpu.dma_semaphore, #tpu.memory_space<semaphore_mem>>) src(%dma_wait3A_6 : memref<5000x128xf32, #tpu.memory_space<hbm>>) dst(%dma_wait3A_4 : memref<5000x128xf32, #tpu.memory_space<hbm>>)
    return
  }
}

module attributes {stable_mosaic.version = 14 : i64} {
  func.func @_tc_body(%arg0: i32, %arg1: memref<2x500x1x8x128xf32, #tpu.memory_space<vmem>>, %arg2: memref<1x128xf32, #tpu.memory_space<vmem>>, %arg3: memref<16x500x1x128xf32, #tpu.memory_space<vmem>>, %arg4: memref<1x128xf32, #tpu.memory_space<vmem>>) attributes {dimension_semantics = [#tpu.dimension_semantics<arbitrary>], iteration_bounds = array<i64: 5>, scalar_prefetch = 0 : i64, scratch_operands = 0 : i64, tpu.core_type = #tpu.core_type<tc>, window_params = [{transform_indices = @transform_0, window_bounds = array<i64: 2, 500, 1, 8, 128>}, {pipeline_mode = #tpu.pipeline_mode<synchronous>, transform_indices = @transform_1, window_bounds = array<i64: 1, 128>}, {transform_indices = @transform_2, window_bounds = array<i64: 16, 500, 1, 128>}, {pipeline_mode = #tpu.pipeline_mode<synchronous>, transform_indices = @transform_3, window_bounds = array<i64: 1, 128>}]} {
    %get3A = arith.constant 0 : index
    %get3A_0 = arith.constant 0 : index
    %get3A_1 = arith.constant 0 : index
    %get3A_2 = arith.constant 0 : index
    %get3A_3 = arith.constant 0 : index
    %get3A_4 = vector.load %arg1[%get3A, %get3A_0, %get3A_1, %get3A_2, %get3A_3] : memref<2x500x1x8x128xf32, #tpu.memory_space<vmem>>, vector<2x500x1x8x128xf32>
    %transpose3A = tpu.transpose %get3A_4, [0, 3, 1, 2, 4] : vector<2x500x1x8x128xf32> -> vector<2x8x500x1x128xf32>
    %reshape3A = vector.shape_cast %transpose3A : vector<2x8x500x1x128xf32> to vector<16x500x1x128xf32>
    %swap3A = arith.constant 0 : index
    %swap3A_5 = arith.constant 0 : index
    %swap3A_6 = arith.constant 0 : index
    %swap3A_7 = arith.constant 0 : index
    %swap3A_8 = vector.load %arg3[%swap3A, %swap3A_5, %swap3A_6, %swap3A_7] : memref<16x500x1x128xf32, #tpu.memory_space<vmem>>, vector<16x500x1x128xf32>
    tpu.vector_store %arg3[%swap3A, %swap3A_5, %swap3A_6, %swap3A_7], %reshape3A {strides = array<i32>} : memref<16x500x1x128xf32, #tpu.memory_space<vmem>>, vector<16x500x1x128xf32>,
    %get3A_9 = arith.constant 0 : index
    %get3A_10 = arith.constant 0 : index
    %get3A_11 = vector.load %arg2[%get3A_9, %get3A_10] : memref<1x128xf32, #tpu.memory_space<vmem>>, vector<1x128xf32>
    %mul3A = arith.constant 5.000000e+00 : f32
    %mul3A_12 = vector.broadcast %mul3A : f32 to vector<1x128xf32>
    %mul3A_13 = arith.mulf %get3A_11, %mul3A_12 : vector<1x128xf32>
    %mul3A_14 = arith.constant 2.000000e-01 : f32
    %mul3A_15 = vector.broadcast %mul3A_14 : f32 to vector<1x128xf32>
    %mul3A_16 = arith.mulf %mul3A_13, %mul3A_15 : vector<1x128xf32>
    %swap3A_17 = arith.constant 0 : index
    %swap3A_18 = arith.constant 0 : index
    %swap3A_19 = vector.load %arg4[%swap3A_17, %swap3A_18] : memref<1x128xf32, #tpu.memory_space<vmem>>, vector<1x128xf32>
    tpu.vector_store %arg4[%swap3A_17, %swap3A_18], %mul3A_16 {strides = array<i32>} : memref<1x128xf32, #tpu.memory_space<vmem>>, vector<1x128xf32>,
    return
  }
  func.func @transform_0(%arg0: i32) -> (i32, i32, i32, i32, i32) {
    %c0_i32 = arith.constant 0 : i32
    %c0_i32_0 = arith.constant 0 : i32
    %c0_i32_1 = arith.constant 0 : i32
    %c0_i32_2 = arith.constant 0 : i32
    %c0_i32_3 = arith.constant 0 : i32
    return %c0_i32, %arg0, %c0_i32_0, %c0_i32_1, %c0_i32_2 : i32, i32, i32, i32, i32
  }
  func.func @transform_1(%arg0: i32) -> (i32, i32) {
    %c0_i32 = arith.constant 0 : i32
    %c0_i32_0 = arith.constant 0 : i32
    %c0_i32_1 = arith.constant 0 : i32
    return %c0_i32, %c0_i32_0 : i32, i32
  }
  func.func @transform_2(%arg0: i32) -> (i32, i32, i32, i32) {
    %c0_i32 = arith.constant 0 : i32
    %c0_i32_0 = arith.constant 0 : i32
    %c0_i32_1 = arith.constant 0 : i32
    %c0_i32_2 = arith.constant 0 : i32
    return %c0_i32, %arg0, %c0_i32_0, %c0_i32_1 : i32, i32, i32, i32
  }
  func.func @transform_3(%arg0: i32) -> (i32, i32) {
    %c0_i32 = arith.constant 0 : i32
    %c0_i32_0 = arith.constant 0 : i32
    %c0_i32_1 = arith.constant 0 : i32
    return %c0_i32, %c0_i32_0 : i32, i32
  }
}

</mosaic_0001>

<sc_bundles>
// kernel: kernel.4.cloned.1.call-start
scs
__scs_entry_jumppad:
0x0: {  	(pc) =	sbr.rel $0x88, $3  }
0x1: {  	(tag) =	ssettag $0x0;
	lr =	simm.s32 $0x1  }
0x2: {  	[smem:$0x3F9E] =	sst lr;
	_ =	strace $0xD0000000  }
0x3: {  	_ = 	snop  }
0x4: {  	_ = 	snop  }
0x5: {  	_ = 	snop  }
0x6: {  	_ = 	snop  }
0x7: {  	_ = 	snop  }
__scs_overlays_trampoline_lowered:
0x8: {  	[smem:$0x3FAD] =	sst s0  }
0x9: {  	[smem:$0x3FAE] =	sst s1  }
0xa: {  	[smem:$0x3FAF] =	sst s2  }
0xb: {  	[smem:$0x3FB0] =	sst s3  }
0xc: {  	[smem:$0x3FB1] =	sst s4  }
0xd: {  	[smem:$0x3FB2] =	sst s5  }
0xe: {  	[smem:$0x3FB3] =	sst s6  }
0xf: {  	[smem:$0x3FB4] =	sst s7  }
0x10: {  	[smem:$0x3FB5] =	sst s8  }
0x11: {  	[smem:$0x3FB6] =	sst s9;
	s0 =	simm.s32 @!p0 $0x0  }
0x12: {  	s1 =	sld [smem:$0x3F9C];
	s0 =	simm.s32 @p0 $0x1  }
0x13: {  	[smem:$0x3FB7] =	sst s0;
	s0 =	simm.s32 @!p1 $0x0  }
0x14: {  	s2 =	sld [smem:$0x3F9B];
	s0 =	simm.s32 @p1 $0x1  }
0x15: {  	[smem:$0x3FB8] =	sst s0;
	s0 =	simm.s32 @!p2 $0x0  }
0x16: {  	s3 =	sld [smem:$0x3FDB];
	s0 =	simm.s32 @p2 $0x1  }
0x17: {  	s4 =	simm.s32 $0x1BF5;
	[smem:$0x3FBA] =	sst s0  }
0x18: {  	s0 =	sld [smem:$0x3F9D];
	_ =	swait.ge [sflag:s4], $0x0  }
0x19: {  	s7 =	sld [smem:$0x3F9E]  }
0x1a: {  	s8 =	sadd.s32 $0xFFFFE003, lr  }
0x1b: {  	s9 =	sadd.s32 $0xFFFFFEF7, lr;
	s5 =	simm.s32 $0xFFFFFFFF;
	p2 =	slt.u32 s8, $0xFFFFF086  }
0x1c: {  	p1 =	slt.u32 s9, $0xF7A;
	s5 =	simm.s32 @!p2 $0x0  }
0x1d: {  	s5 =	simm.s32 @p1 $0x1;
	p0 =	seq.s32 s7, s2  }
0x1e: {  	s7 =	smul.u32 @!p0 $0xF7A, s2;
	p2 =	seq.s32 @!p0 s5, $0x0  }
0x1f: {  	s9 =	smul.u32 $0xF7A, s1;
	s8 =	simm.s32 @!p0 $0x1BF5;
	p2 =	por !p2, p0  }
0x20: {  	[sflag:s8] =	ssyncset.s32 @!p0 $0xFFFFF086;
	s6 =	sadd.s32 @!p0 s3, s7;
	s7 =	simm.s32 @!p0 $0x108  }
0x21: {  	s3 =	sadd.s32 s3, s9;
	s6 =	sadd.s32 @!p0 $0x88, s6;
	s7 =	simm.s32 @p2 $0x1082  }
0x22: {  	[simem:s7], [sflag:s8] =	dma.local @!p0 [hbm:s6], $0xF7A  }
0x23: {  	s9 =	sor.u32 $0xD0000000, s2;
	s6 =	simm.s32 $0x108;
	_ =	swait.ge @!p0 [sflag:s8], $0x0  }
0x24: {  	s3 =	sadd.s32 $0x88, s3;
	s6 =	simm.s32 @!p1 $0x1082;
	[sflag:s4] =	ssyncset.s32 $0xFFFFF086  }
0x25: {  	[simem:s6], [sflag:s4] =	dma.local [hbm:s3], $0xF7A  }
0x26: {  	[smem:$0x3F9E] =	sst s1;
	(tag) =	ssettag s2;
	_ =	strace s9  }
0x27: {  	s1 =	sld [smem:$0x3FAE]  }
0x28: {  	s2 =	sld [smem:$0x3FAF]  }
0x29: {  	s4 =	sld [smem:$0x3FB1]  }
0x2a: {  	p0 =	seq.s32 s5, $0x0;
	s5 =	sld [smem:$0x3FB2]  }
0x2b: {  	s6 =	sld [smem:$0x3FB3]  }
0x2c: {  	s7 =	sld [smem:$0x3FB4]  }
0x2d: {  	s3 =	simm.s32 $0x108;
	s8 =	sld [smem:$0x3FB5]  }
0x2e: {  	s3 =	simm.s32 @!p0 $0x1082;
	s9 =	sld [smem:$0x3FB6]  }
0x2f: {  	lr =	sadd.s32 s0, s3;
	s0 =	sld [smem:$0x3FAD]  }
0x30: {  	s3 =	sld [smem:$0x3FB0]  }
0x31: {  	[smem:$0x3FB9] =	sst s10  }
0x32: {  	s10 =	sld [smem:$0x3FB7];
	_ =	sdelay $0x3  }
0x33: {  	p0 =	seq.s32 s10, $0x1;
	s10 =	sld [smem:$0x3FB9];
	_ =	sdelay $0x3  }
0x34: {  	[smem:$0x3FB9] =	sst s10  }
0x35: {  	s10 =	sld [smem:$0x3FB8];
	_ =	sdelay $0x3  }
0x36: {  	p1 =	seq.s32 s10, $0x1;
	s10 =	sld [smem:$0x3FB9];
	_ =	sdelay $0x3  }
0x37: {  	[smem:$0x3FB9] =	sst s10  }
0x38: {  	s10 =	sld [smem:$0x3FBA]  }
0x39: {  	_ = 	snop;
	(pc) =	sbr.ind lr, $3  }
0x3a: {  	_ = 	snop  }
0x3b: {  	_ = 	snop  }
0x3c: {  	p2 =	seq.s32 s10, $0x1;
	s10 =	sld [smem:$0x3FB9]  }
0x3d: {  	_ =	shalt  }
0x3e: {  	_ =	shalt  }
0x3f: {  	_ =	shalt  }
0x40: {  	_ =	shalt  }
0x41: {  	_ =	shalt  }
0x42: {  	_ =	shalt  }
0x43: {  	_ =	shalt  }
0x44: {  	_ =	shalt  }
0x45: {  	_ =	shalt  }
0x46: {  	_ =	shalt  }
0x47: {  	_ =	shalt  }
0x48: {  	_ =	shalt  }
0x49: {  	_ =	shalt  }
0x4a: {  	_ =	shalt  }
0x4b: {  	_ =	shalt  }
0x4c: {  	_ =	shalt  }
0x4d: {  	_ =	shalt  }
0x4e: {  	_ =	shalt  }
0x4f: {  	_ =	shalt  }
0x50: {  	_ =	shalt  }
0x51: {  	_ =	shalt  }
0x52: {  	_ =	shalt  }
0x53: {  	_ =	shalt  }
0x54: {  	_ =	shalt  }
0x55: {  	_ =	shalt  }
0x56: {  	_ =	shalt  }
0x57: {  	_ =	shalt  }
0x58: {  	_ =	shalt  }
0x59: {  	_ =	shalt  }
0x5a: {  	_ =	shalt  }
0x5b: {  	_ =	shalt  }
0x5c: {  	_ =	shalt  }
0x5d: {  	_ =	shalt  }
0x5e: {  	_ =	shalt  }
0x5f: {  	_ =	shalt  }
0x60: {  	_ =	shalt  }
0x61: {  	_ =	shalt  }
0x62: {  	_ =	shalt  }
0x63: {  	_ =	shalt  }
0x64: {  	_ =	shalt  }
0x65: {  	_ =	shalt  }
0x66: {  	_ =	shalt  }
0x67: {  	_ =	shalt  }
0x68: {  	_ =	shalt  }
0x69: {  	_ =	shalt  }
0x6a: {  	_ =	shalt  }
0x6b: {  	_ =	shalt  }
0x6c: {  	_ =	shalt  }
0x6d: {  	_ =	shalt  }
0x6e: {  	_ =	shalt  }
0x6f: {  	_ =	shalt  }
0x70: {  	_ =	shalt  }
0x71: {  	_ =	shalt  }
0x72: {  	_ =	shalt  }
0x73: {  	_ =	shalt  }
0x74: {  	_ =	shalt  }
0x75: {  	_ =	shalt  }
0x76: {  	_ =	shalt  }
0x77: {  	_ =	shalt  }
0x78: {  	_ =	shalt  }
0x79: {  	_ =	shalt  }
0x7a: {  	_ =	shalt  }
0x7b: {  	_ =	shalt  }
0x7c: {  	_ =	shalt  }
0x7d: {  	_ =	shalt  }
0x7e: {  	_ =	shalt  }
0x7f: {  	_ =	shalt  }
0x80: {  	_ =	shalt  }
0x81: {  	_ =	shalt  }
0x82: {  	_ =	shalt  }
0x83: {  	_ =	shalt  }
0x84: {  	_ =	shalt  }
0x85: {  	_ =	shalt  }
0x86: {  	_ =	shalt  }
0x87: {  	_ =	shalt  }
.Lfunc_end0:
.L_simem_size_0:
called_computation_lowered:
.L_overlay_start_0:
0x88: {  	s0 =	sld [smem:$0x3FD9]  }
0x89: {  	s1 =	sld [smem:$0x3FFE];
	_ =	sdelay $0x1  }
0x8a: {  	s2 =	srdreg.scid  }
0x8b: {  	s3 =	sand.u32 $0x1, s2  }
0x8c: {  	s20 =	sshll.u32 s3, $0xA;
	s0 =	sadd.s32 s1, s0  }
0x8d: {  	s0 =	sadd.s32 s0, s20  }
0x8e: {  	[smem:$0x3FC5] =	sst s0  }
0x8f: {  	_ = 	snop  }
0x90: {  	s0 =	sld [smem:$0x3FD0];
	_ =	sdelay $0x2  }
0x91: {  	s4 =	simm.s32 $0xA;
	s5 =	simm.s32 $0x10;
	s21 =	sld [smem:$0x3FC9]  }
0x92: {  	[smem:s5], [sflag:s4] =	dma.local [hbm:s0], $0x1  }
0x93: {  	_ =	swait.eq [sflag:s4], $0x1  }
0x94: {  	[sflag:s4] =	ssyncset.done $0x0  }
0x95: {  	s23 =	simm.s32 $0x0;
	s22 =	sld [smem:$0x10];
	[sflag:s4] =	ssyncadd.s32 $0xFFFFFFFF  }
0x96: {  	[smem:$0xF] =	sst s23  }
0x97: {  	(tm) =	ssettm $0x1  }
0x98: {  	s24 =	sld [smem:$0x3FFB];
	_ =	sdelay $0x3  }
0x99: {  	_ =	strace s24  }
0x9a: {  	s4 =	sld [smem:$0x3FFC];
	_ =	sdelay $0x3  }
0x9b: {  	_ =	strace s4  }
0x9c: {  	s4 =	sld [smem:$0x3FFD];
	_ =	sdelay $0x3  }
0x9d: {  	_ =	strace s4  }
0x9e: {  	s25 =	simm.s32 $0x1B8B;
	_ =	strace $0x8FFFFFFF  }
0x9f: {  	_ =	swait.ge [sflag:s25], $0x1  }
0xa0: {  	[sflag:s25] =	ssyncset.done $0x0  }
0xa1: {  	s26 =	simm.s32 $0x1B8E;
	s28 =	smul.u32 $0x13880, s3;
	[sflag:s25] =	ssyncadd.s32 $0xFFFFFFFF  }
0xa2: {  	s29 =	simm.s32 $0x9;
	[smem:$0x3FD2] =	sst s26  }
0xa3: {  	s1 =	sadd.s32 s28, s21;
	s0 =	sadd.s32 s28, s22;
	_ =	strace $0x80000046  }
0xa4: {  	[hbm:s0], [sflag:s29] =	dma.local [hbm:s1], $0x13880  }
0xa5: {  	_ =	swait.ge [sflag:s29], $0x13880  }
0xa6: {  	[sflag:s29] =	ssyncset.done $0x0  }
0xa7: {  	[sflag:s29] =	ssyncadd.s32 $0xFFFEC780  }
0xa8: {  	_ =	strace $0x90000046  }
0xa9: {  	_ =	sfence  }
0xaa: {  	s30 =	sld [smem:$0x0];
	_ =	sdelay $0x2  }
0xab: {  	s31 =	sshll.u32 s2, $0xD;
	s2 =	sshrl.u32 s2, $0x2  }
0xac: {  	s1 =	sand.u32 $0x4000, s31;
	s0 =	sadd.s32 s2, s30  }
0xad: {  	s1 =	sor.u32 s1, s3;
	s0 =	sshll.u32 s0, $0x11  }
0xae: {  	s0 =	sor.u32 s0, s1  }
0xaf: {  	s0 =	sadd.s32 $0x8F2B, s0;
	(pc) =	sbr.abs _section_cstart, $3  }
0xb0: {  	[sflag:s0] =	ssyncadd.remote.s32 $0x1  }
0xb1: {  	_ =	strace $0x9FFFFFFF  }
0xb2: {  	(tm) =	ssettm $0x7FFFFFFF  }
0xb3: {  	_ =	shalt  }

</sc_bundles>
